<compile_context>
chip_gen: v7x
topology: tpu7x:2x2x1
jax: 0.10.2.dev20260603
libtpu: 0.0.44.dev20260713+nightly
codegen_flags: <defaults>
</compile_context>

<pallas_src>
import functools

import jax
import jax.numpy as jnp
from jax import lax
from jax.experimental import pallas as pl
from jax.experimental.pallas import tpu as pltpu
from jax.experimental.pallas import tpu_sc as plsc

_NC = 2
_NS = 16
_NW = _NC * _NS

_V = 32
_D = 64
_N = 4096 * 16 * 16
_CHUNK = 1024
_GATHERS = _CHUNK // 128
_PER_W = _N // _NW
_ITERS = _PER_W // _CHUNK


def _combine_body(t_ref, out_ref):
    t = t_ref[...]
    t0 = t[0:_V]
    t1 = t[_V:2 * _V]
    t2 = t[2 * _V:3 * _V]
    s01 = t0[:, None, :] + t1[None, :, :]
    s012 = s01[:, :, None, :] + t2[None, None, :, :]
    out_ref[...] = s012.reshape(_V * _V * _V, _D)


def _build_t012(table):
    return pl.pallas_call(
        _combine_body,
        out_shape=jax.ShapeDtypeStruct((_V * _V * _V, _D), jnp.float32),
    )(table)


def _sc_body(iv_hbm, t012_hbm, out_hbm, idx_v, rows_v, gsem, *, iters):
    wid = lax.axis_index("s") * _NC + lax.axis_index("c")

    def chunk(it, carry):
        pos = (wid * iters + it) * _CHUNK
        pltpu.sync_copy(iv_hbm.at[pl.ds(pos, _CHUNK)], idx_v)
        copies = [
            pltpu.async_copy(
                t012_hbm.at[idx_v.at[pl.ds(j * 128, 128)]], rows_v.at[j], gsem)
            for j in range(_GATHERS)
        ]
        for c_ in copies:
            c_.wait()
        blk = (wid * iters + it) * _GATHERS
        pltpu.sync_copy(rows_v, out_hbm.at[pl.ds(blk, _GATHERS)])
        return carry

    lax.fori_loop(0, iters, chunk, 0)


def _sc_gather(iv, t012):
    n = iv.shape[0]
    mesh = plsc.VectorSubcoreMesh(core_axis_name="c", subcore_axis_name="s")
    f = functools.partial(
        pl.kernel,
        mesh=mesh,
        out_type=jax.ShapeDtypeStruct((n // 128, 128, _D), jnp.float32),
        scratch_types=[
            pltpu.VMEM((_CHUNK,), jnp.int32),
            pltpu.VMEM((_GATHERS, 128, _D), jnp.float32),
            pltpu.SemaphoreType.DMA,
        ],
        compiler_params=pltpu.CompilerParams(use_tc_tiling_on_sc=False),
    )(functools.partial(_sc_body, iters=n // _NW // _CHUNK))
    return f(iv, t012)


_BB = 128
_KB = 8


def _relayout_body(in_ref, out_ref):
    x = in_ref[...]
    for j in range(_KB):
        out_ref[2 * j] = x[:, j, 0:_D].T
        out_ref[2 * j + 1] = x[:, j, _D:2 * _D].T


def _relayout(v):
    B, K, _ = v.shape
    grid = (B // _BB, K // _KB)
    return pl.pallas_call(
        _relayout_body,
        grid=grid,
        in_specs=[pl.BlockSpec((_BB, _KB, 128), lambda bi, ki: (bi, ki, 0))],
        out_specs=pl.BlockSpec((2 * _KB, _D, _BB), lambda bi, ki: (ki, 0, bi)),
        out_shape=jax.ShapeDtypeStruct((2 * K, _D, B), jnp.float32),
    )(v)


def kernel(x, table):
    B, H, W, _ = x.shape
    iv = (x[..., 0] << 10) | (x[..., 1] << 5) | x[..., 2]
    iv = iv.reshape(B * H * W)
    t012 = _build_t012(table)
    out3 = _sc_gather(iv, t012)
    v = out3.reshape(B, H * W // 2, 128)
    outT = _relayout(v)
    out4 = outT.reshape(H, W, _D, B)
    return jnp.transpose(out4, (3, 0, 1, 2))

# --- scband reference (transcript-rebuilt; emitter-appended) ---
"""Pipeline reference for scband-extractor-feature-86199993631083 (READ-ONLY COPY).

The authoritative reference and input builder live on the scoring server;
editing this copy changes nothing except your own understanding.
"""

import jax, jax.numpy as jnp
import numpy as np

VALUE_MAX = 31
LEN_OUTPUT = 64


def setup_inputs(seed: int = 0) -> dict:
    key = jax.random.key(seed)
    k1, k2 = jax.random.split(key)
    x = jax.random.randint(k1, (4096, 16, 16, 3), 0, VALUE_MAX + 1, dtype=jnp.int32)
    table = jax.random.normal(k2, (3 * (VALUE_MAX + 1), LEN_OUTPUT), dtype=jnp.float32)
    table = table / jnp.linalg.norm(table, axis=-1, keepdims=True)
    return {"x": x, "table": table}


def reference(x, table):
    # offsets shift each of the 3 channel values into its own sub-vocabulary
    offsets = jnp.array([0, VALUE_MAX + 1, 2 * (VALUE_MAX + 1)], dtype=jnp.int32).reshape(1, 1, 1, 3)
    idx = x + offsets                      # [B, H, W, 3]
    emb_per_dim = jnp.take(table, idx, axis=0)  # [B, H, W, 3, len_output]
    embeddings = jnp.sum(emb_per_dim, axis=-2)  # bag-of-words sum over the 3 channels
    return embeddings

if __name__ == "__main__":
    import jax
    _d = setup_inputs()
    print(jax.jit(kernel)(*tuple(_d.values())))

</pallas_src>

<mosaic_0001>
#map = affine_map<(d0, d1) -> (0)>
#map1 = affine_map<(d0, d1) -> (0, 0)>
#map2 = affine_map<(d0, d1) -> (0, 0, 0)>
module attributes {stable_mosaic.version = 14 : i64} {
  func.func @_sc_body(%arg0: i32, %arg1: i32, %arg2: memref<1048576xi32, #tpu.memory_space<hbm>>, %arg3: memref<32768x64xf32, #tpu.memory_space<hbm>>, %arg4: memref<8192x128x64xf32, #tpu.memory_space<hbm>>, %arg5: memref<1024xi32, #tpu.memory_space<vmem>>, %arg6: memref<8x128x64xf32, #tpu.memory_space<vmem>>, %arg7: memref<!tpu.dma_semaphore, #tpu.memory_space<semaphore_mem>>) attributes {dimension_semantics = [#tpu.dimension_semantics<core_parallel>, #tpu.dimension_semantics<subcore_parallel>], iteration_bounds = array<i64: 2, 16>, scalar_prefetch = 0 : i64, scratch_operands = 3 : i64, tpu.core_type = #tpu.core_type<sc_vector_subcore>, window_params = [{transform_indices = #map}, {transform_indices = #map1}, {transform_indices = #map2}]} {
    %mul3A = arith.constant 2 : i32
    %mul3A_0 = arith.muli %arg1, %mul3A : i32
    %add3A = arith.addi %mul3A_0, %arg0 : i32
    %scan3A = arith.constant 0 : i32
    %scan3A_1 = arith.constant 0 : i32
    %scan3A_2 = arith.constant 32 : i32
    %scan3A_3 = arith.addi %scan3A_1, %scan3A_2 : i32
    %scan3A_4 = arith.constant 1 : i32
    scf.for %scan3A_6 = %scan3A_1 to %scan3A_3 step %scan3A_4  : i32 {
      %mul3A_7 = arith.constant 32 : i32
      %mul3A_8 = arith.muli %add3A, %mul3A_7 : i32
      %add3A_9 = arith.addi %mul3A_8, %scan3A_6 : i32
      %mul3A_10 = arith.constant 1024 : i32
      %mul3A_11 = arith.muli %add3A_9, %mul3A_10 : i32
      "tpu.region"() ({
        %run_scoped3A = tpu.sem_alloc : memref<!tpu.dma_semaphore, #tpu.memory_space<semaphore_mem>>
        %dma_start3A_175 = tpu.memref_slice %arg2[%mul3A_11] : memref<1048576xi32, #tpu.memory_space<hbm>> -> memref<1024xi32, #tpu.memory_space<hbm>>
        %dma_start3A_176 = tpu.memref_slice %arg2[%mul3A_11] : memref<1048576xi32, #tpu.memory_space<hbm>> -> memref<1024xi32, #tpu.memory_space<hbm>>
        tpu.enqueue_dma source(%dma_start3A_176 : memref<1024xi32, #tpu.memory_space<hbm>>) target(%arg5 : memref<1024xi32, #tpu.memory_space<vmem>>) target_semaphore(%run_scoped3A : memref<!tpu.dma_semaphore, #tpu.memory_space<semaphore_mem>>)
        %dma_wait3A_177 = tpu.memref_slice %arg2[%mul3A_11] : memref<1048576xi32, #tpu.memory_space<hbm>> -> memref<1024xi32, #tpu.memory_space<hbm>>
        %dma_wait3A_178 = tpu.memref_slice %arg2[%mul3A_11] : memref<1048576xi32, #tpu.memory_space<hbm>> -> memref<1024xi32, #tpu.memory_space<hbm>>
        tpu.wait_dma2 semaphore(%run_scoped3A : memref<!tpu.dma_semaphore, #tpu.memory_space<semaphore_mem>>) src(%dma_wait3A_178 : memref<1024xi32, #tpu.memory_space<hbm>>) dst(%arg5 : memref<1024xi32, #tpu.memory_space<vmem>>)
        tpu.yield
      }) : () -> ()
      %dma_start3A = arith.constant 0 : i32
      %dma_start3A_12 = arith.constant 0 : i32
      %dma_start3A_13 = arith.constant 0 : i32
      %dma_start3A_14 = tpu.memref_slice %arg6[%dma_start3A, %dma_start3A_12, %dma_start3A_13] : memref<8x128x64xf32, #tpu.memory_space<vmem>> -> memref<1x128x64xf32, #tpu.memory_space<vmem>>
      %dma_start3A_15 = tpu.memref_squeeze %dma_start3A_14 : memref<1x128x64xf32, #tpu.memory_space<vmem>> -> memref<128x64xf32, #tpu.memory_space<vmem>>
      %dma_start3A_16 = arith.constant 0 : i32
      %dma_start3A_17 = tpu.memref_slice %arg5[%dma_start3A_16] : memref<1024xi32, #tpu.memory_space<vmem>> -> memref<128xi32, #tpu.memory_space<vmem>>
      %dma_start3A_18 = arith.constant 0 : i32
      %dma_start3A_19 = arith.constant 0 : i32
      %dma_start3A_20 = tpu.memref_slice %arg3[%dma_start3A_18, %dma_start3A_19] : memref<32768x64xf32, #tpu.memory_space<hbm>> -> memref<32768x64xf32, #tpu.memory_space<hbm>>
      tpu.enqueue_indirect_dma source(%dma_start3A_20 : memref<32768x64xf32, #tpu.memory_space<hbm>>) target(%dma_start3A_15 : memref<128x64xf32, #tpu.memory_space<vmem>>) offsets(%dma_start3A_17 : memref<128xi32, #tpu.memory_space<vmem>>) semaphore(%arg7 : memref<!tpu.dma_semaphore, #tpu.memory_space<semaphore_mem>>)
      %dma_start3A_21 = arith.constant 1 : i32
      %dma_start3A_22 = arith.constant 0 : i32
      %dma_start3A_23 = arith.constant 0 : i32
      %dma_start3A_24 = tpu.memref_slice %arg6[%dma_start3A_21, %dma_start3A_22, %dma_start3A_23] : memref<8x128x64xf32, #tpu.memory_space<vmem>> -> memref<1x128x64xf32, #tpu.memory_space<vmem>>
      %dma_start3A_25 = tpu.memref_squeeze %dma_start3A_24 : memref<1x128x64xf32, #tpu.memory_space<vmem>> -> memref<128x64xf32, #tpu.memory_space<vmem>>
      %dma_start3A_26 = arith.constant 128 : i32
      %dma_start3A_27 = tpu.memref_slice %arg5[%dma_start3A_26] : memref<1024xi32, #tpu.memory_space<vmem>> -> memref<128xi32, #tpu.memory_space<vmem>>
      %dma_start3A_28 = arith.constant 0 : i32
      %dma_start3A_29 = arith.constant 0 : i32
      %dma_start3A_30 = tpu.memref_slice %arg3[%dma_start3A_28, %dma_start3A_29] : memref<32768x64xf32, #tpu.memory_space<hbm>> -> memref<32768x64xf32, #tpu.memory_space<hbm>>
      tpu.enqueue_indirect_dma source(%dma_start3A_30 : memref<32768x64xf32, #tpu.memory_space<hbm>>) target(%dma_start3A_25 : memref<128x64xf32, #tpu.memory_space<vmem>>) offsets(%dma_start3A_27 : memref<128xi32, #tpu.memory_space<vmem>>) semaphore(%arg7 : memref<!tpu.dma_semaphore, #tpu.memory_space<semaphore_mem>>)
      %dma_start3A_31 = arith.constant 2 : i32
      %dma_start3A_32 = arith.constant 0 : i32
      %dma_start3A_33 = arith.constant 0 : i32
      %dma_start3A_34 = tpu.memref_slice %arg6[%dma_start3A_31, %dma_start3A_32, %dma_start3A_33] : memref<8x128x64xf32, #tpu.memory_space<vmem>> -> memref<1x128x64xf32, #tpu.memory_space<vmem>>
      %dma_start3A_35 = tpu.memref_squeeze %dma_start3A_34 : memref<1x128x64xf32, #tpu.memory_space<vmem>> -> memref<128x64xf32, #tpu.memory_space<vmem>>
      %dma_start3A_36 = arith.constant 256 : i32
      %dma_start3A_37 = tpu.memref_slice %arg5[%dma_start3A_36] : memref<1024xi32, #tpu.memory_space<vmem>> -> memref<128xi32, #tpu.memory_space<vmem>>
      %dma_start3A_38 = arith.constant 0 : i32
      %dma_start3A_39 = arith.constant 0 : i32
      %dma_start3A_40 = tpu.memref_slice %arg3[%dma_start3A_38, %dma_start3A_39] : memref<32768x64xf32, #tpu.memory_space<hbm>> -> memref<32768x64xf32, #tpu.memory_space<hbm>>
      tpu.enqueue_indirect_dma source(%dma_start3A_40 : memref<32768x64xf32, #tpu.memory_space<hbm>>) target(%dma_start3A_35 : memref<128x64xf32, #tpu.memory_space<vmem>>) offsets(%dma_start3A_37 : memref<128xi32, #tpu.memory_space<vmem>>) semaphore(%arg7 : memref<!tpu.dma_semaphore, #tpu.memory_space<semaphore_mem>>)
      %dma_start3A_41 = arith.constant 3 : i32
      %dma_start3A_42 = arith.constant 0 : i32
      %dma_start3A_43 = arith.constant 0 : i32
      %dma_start3A_44 = tpu.memref_slice %arg6[%dma_start3A_41, %dma_start3A_42, %dma_start3A_43] : memref<8x128x64xf32, #tpu.memory_space<vmem>> -> memref<1x128x64xf32, #tpu.memory_space<vmem>>
      %dma_start3A_45 = tpu.memref_squeeze %dma_start3A_44 : memref<1x128x64xf32, #tpu.memory_space<vmem>> -> memref<128x64xf32, #tpu.memory_space<vmem>>
      %dma_start3A_46 = arith.constant 384 : i32
      %dma_start3A_47 = tpu.memref_slice %arg5[%dma_start3A_46] : memref<1024xi32, #tpu.memory_space<vmem>> -> memref<128xi32, #tpu.memory_space<vmem>>
      %dma_start3A_48 = arith.constant 0 : i32
      %dma_start3A_49 = arith.constant 0 : i32
      %dma_start3A_50 = tpu.memref_slice %arg3[%dma_start3A_48, %dma_start3A_49] : memref<32768x64xf32, #tpu.memory_space<hbm>> -> memref<32768x64xf32, #tpu.memory_space<hbm>>
      tpu.enqueue_indirect_dma source(%dma_start3A_50 : memref<32768x64xf32, #tpu.memory_space<hbm>>) target(%dma_start3A_45 : memref<128x64xf32, #tpu.memory_space<vmem>>) offsets(%dma_start3A_47 : memref<128xi32, #tpu.memory_space<vmem>>) semaphore(%arg7 : memref<!tpu.dma_semaphore, #tpu.memory_space<semaphore_mem>>)
      %dma_start3A_51 = arith.constant 4 : i32
      %dma_start3A_52 = arith.constant 0 : i32
      %dma_start3A_53 = arith.constant 0 : i32
      %dma_start3A_54 = tpu.memref_slice %arg6[%dma_start3A_51, %dma_start3A_52, %dma_start3A_53] : memref<8x128x64xf32, #tpu.memory_space<vmem>> -> memref<1x128x64xf32, #tpu.memory_space<vmem>>
      %dma_start3A_55 = tpu.memref_squeeze %dma_start3A_54 : memref<1x128x64xf32, #tpu.memory_space<vmem>> -> memref<128x64xf32, #tpu.memory_space<vmem>>
      %dma_start3A_56 = arith.constant 512 : i32
      %dma_start3A_57 = tpu.memref_slice %arg5[%dma_start3A_56] : memref<1024xi32, #tpu.memory_space<vmem>> -> memref<128xi32, #tpu.memory_space<vmem>>
      %dma_start3A_58 = arith.constant 0 : i32
      %dma_start3A_59 = arith.constant 0 : i32
      %dma_start3A_60 = tpu.memref_slice %arg3[%dma_start3A_58, %dma_start3A_59] : memref<32768x64xf32, #tpu.memory_space<hbm>> -> memref<32768x64xf32, #tpu.memory_space<hbm>>
      tpu.enqueue_indirect_dma source(%dma_start3A_60 : memref<32768x64xf32, #tpu.memory_space<hbm>>) target(%dma_start3A_55 : memref<128x64xf32, #tpu.memory_space<vmem>>) offsets(%dma_start3A_57 : memref<128xi32, #tpu.memory_space<vmem>>) semaphore(%arg7 : memref<!tpu.dma_semaphore, #tpu.memory_space<semaphore_mem>>)
      %dma_start3A_61 = arith.constant 5 : i32
      %dma_start3A_62 = arith.constant 0 : i32
      %dma_start3A_63 = arith.constant 0 : i32
      %dma_start3A_64 = tpu.memref_slice %arg6[%dma_start3A_61, %dma_start3A_62, %dma_start3A_63] : memref<8x128x64xf32, #tpu.memory_space<vmem>> -> memref<1x128x64xf32, #tpu.memory_space<vmem>>
      %dma_start3A_65 = tpu.memref_squeeze %dma_start3A_64 : memref<1x128x64xf32, #tpu.memory_space<vmem>> -> memref<128x64xf32, #tpu.memory_space<vmem>>
      %dma_start3A_66 = arith.constant 640 : i32
      %dma_start3A_67 = tpu.memref_slice %arg5[%dma_start3A_66] : memref<1024xi32, #tpu.memory_space<vmem>> -> memref<128xi32, #tpu.memory_space<vmem>>
      %dma_start3A_68 = arith.constant 0 : i32
      %dma_start3A_69 = arith.constant 0 : i32
      %dma_start3A_70 = tpu.memref_slice %arg3[%dma_start3A_68, %dma_start3A_69] : memref<32768x64xf32, #tpu.memory_space<hbm>> -> memref<32768x64xf32, #tpu.memory_space<hbm>>
      tpu.enqueue_indirect_dma source(%dma_start3A_70 : memref<32768x64xf32, #tpu.memory_space<hbm>>) target(%dma_start3A_65 : memref<128x64xf32, #tpu.memory_space<vmem>>) offsets(%dma_start3A_67 : memref<128xi32, #tpu.memory_space<vmem>>) semaphore(%arg7 : memref<!tpu.dma_semaphore, #tpu.memory_space<semaphore_mem>>)
      %dma_start3A_71 = arith.constant 6 : i32
      %dma_start3A_72 = arith.constant 0 : i32
      %dma_start3A_73 = arith.constant 0 : i32
      %dma_start3A_74 = tpu.memref_slice %arg6[%dma_start3A_71, %dma_start3A_72, %dma_start3A_73] : memref<8x128x64xf32, #tpu.memory_space<vmem>> -> memref<1x128x64xf32, #tpu.memory_space<vmem>>
      %dma_start3A_75 = tpu.memref_squeeze %dma_start3A_74 : memref<1x128x64xf32, #tpu.memory_space<vmem>> -> memref<128x64xf32, #tpu.memory_space<vmem>>
      %dma_start3A_76 = arith.constant 768 : i32
      %dma_start3A_77 = tpu.memref_slice %arg5[%dma_start3A_76] : memref<1024xi32, #tpu.memory_space<vmem>> -> memref<128xi32, #tpu.memory_space<vmem>>
      %dma_start3A_78 = arith.constant 0 : i32
      %dma_start3A_79 = arith.constant 0 : i32
      %dma_start3A_80 = tpu.memref_slice %arg3[%dma_start3A_78, %dma_start3A_79] : memref<32768x64xf32, #tpu.memory_space<hbm>> -> memref<32768x64xf32, #tpu.memory_space<hbm>>
      tpu.enqueue_indirect_dma source(%dma_start3A_80 : memref<32768x64xf32, #tpu.memory_space<hbm>>) target(%dma_start3A_75 : memref<128x64xf32, #tpu.memory_space<vmem>>) offsets(%dma_start3A_77 : memref<128xi32, #tpu.memory_space<vmem>>) semaphore(%arg7 : memref<!tpu.dma_semaphore, #tpu.memory_space<semaphore_mem>>)
      %dma_start3A_81 = arith.constant 7 : i32
      %dma_start3A_82 = arith.constant 0 : i32
      %dma_start3A_83 = arith.constant 0 : i32
      %dma_start3A_84 = tpu.memref_slice %arg6[%dma_start3A_81, %dma_start3A_82, %dma_start3A_83] : memref<8x128x64xf32, #tpu.memory_space<vmem>> -> memref<1x128x64xf32, #tpu.memory_space<vmem>>
      %dma_start3A_85 = tpu.memref_squeeze %dma_start3A_84 : memref<1x128x64xf32, #tpu.memory_space<vmem>> -> memref<128x64xf32, #tpu.memory_space<vmem>>
      %dma_start3A_86 = arith.constant 896 : i32
      %dma_start3A_87 = tpu.memref_slice %arg5[%dma_start3A_86] : memref<1024xi32, #tpu.memory_space<vmem>> -> memref<128xi32, #tpu.memory_space<vmem>>
      %dma_start3A_88 = arith.constant 0 : i32
      %dma_start3A_89 = arith.constant 0 : i32
      %dma_start3A_90 = tpu.memref_slice %arg3[%dma_start3A_88, %dma_start3A_89] : memref<32768x64xf32, #tpu.memory_space<hbm>> -> memref<32768x64xf32, #tpu.memory_space<hbm>>
      tpu.enqueue_indirect_dma source(%dma_start3A_90 : memref<32768x64xf32, #tpu.memory_space<hbm>>) target(%dma_start3A_85 : memref<128x64xf32, #tpu.memory_space<vmem>>) offsets(%dma_start3A_87 : memref<128xi32, #tpu.memory_space<vmem>>) semaphore(%arg7 : memref<!tpu.dma_semaphore, #tpu.memory_space<semaphore_mem>>)
      %dma_wait3A = arith.constant 0 : i32
      %dma_wait3A_91 = arith.constant 0 : i32
      %dma_wait3A_92 = arith.constant 0 : i32
      %dma_wait3A_93 = tpu.memref_slice %arg6[%dma_wait3A, %dma_wait3A_91, %dma_wait3A_92] : memref<8x128x64xf32, #tpu.memory_space<vmem>> -> memref<1x128x64xf32, #tpu.memory_space<vmem>>
      %dma_wait3A_94 = tpu.memref_squeeze %dma_wait3A_93 : memref<1x128x64xf32, #tpu.memory_space<vmem>> -> memref<128x64xf32, #tpu.memory_space<vmem>>
      %dma_wait3A_95 = arith.constant 0 : i32
      %dma_wait3A_96 = tpu.memref_slice %arg5[%dma_wait3A_95] : memref<1024xi32, #tpu.memory_space<vmem>> -> memref<128xi32, #tpu.memory_space<vmem>>
      %dma_wait3A_97 = arith.constant 0 : i32
      %dma_wait3A_98 = arith.constant 0 : i32
      %dma_wait3A_99 = tpu.memref_slice %arg3[%dma_wait3A_97, %dma_wait3A_98] : memref<32768x64xf32, #tpu.memory_space<hbm>> -> memref<32768x64xf32, #tpu.memory_space<hbm>>
      tpu.wait_indirect_dma semaphore(%arg7 : memref<!tpu.dma_semaphore, #tpu.memory_space<semaphore_mem>>) src(%dma_wait3A_99 : memref<32768x64xf32, #tpu.memory_space<hbm>>) dst(%dma_wait3A_94 : memref<128x64xf32, #tpu.memory_space<vmem>>)
      %dma_wait3A_100 = arith.constant 1 : i32
      %dma_wait3A_101 = arith.constant 0 : i32
      %dma_wait3A_102 = arith.constant 0 : i32
      %dma_wait3A_103 = tpu.memref_slice %arg6[%dma_wait3A_100, %dma_wait3A_101, %dma_wait3A_102] : memref<8x128x64xf32, #tpu.memory_space<vmem>> -> memref<1x128x64xf32, #tpu.memory_space<vmem>>
      %dma_wait3A_104 = tpu.memref_squeeze %dma_wait3A_103 : memref<1x128x64xf32, #tpu.memory_space<vmem>> -> memref<128x64xf32, #tpu.memory_space<vmem>>
      %dma_wait3A_105 = arith.constant 128 : i32
      %dma_wait3A_106 = tpu.memref_slice %arg5[%dma_wait3A_105] : memref<1024xi32, #tpu.memory_space<vmem>> -> memref<128xi32, #tpu.memory_space<vmem>>
      %dma_wait3A_107 = arith.constant 0 : i32
      %dma_wait3A_108 = arith.constant 0 : i32
      %dma_wait3A_109 = tpu.memref_slice %arg3[%dma_wait3A_107, %dma_wait3A_108] : memref<32768x64xf32, #tpu.memory_space<hbm>> -> memref<32768x64xf32, #tpu.memory_space<hbm>>
      tpu.wait_indirect_dma semaphore(%arg7 : memref<!tpu.dma_semaphore, #tpu.memory_space<semaphore_mem>>) src(%dma_wait3A_109 : memref<32768x64xf32, #tpu.memory_space<hbm>>) dst(%dma_wait3A_104 : memref<128x64xf32, #tpu.memory_space<vmem>>)
      %dma_wait3A_110 = arith.constant 2 : i32
      %dma_wait3A_111 = arith.constant 0 : i32
      %dma_wait3A_112 = arith.constant 0 : i32
      %dma_wait3A_113 = tpu.memref_slice %arg6[%dma_wait3A_110, %dma_wait3A_111, %dma_wait3A_112] : memref<8x128x64xf32, #tpu.memory_space<vmem>> -> memref<1x128x64xf32, #tpu.memory_space<vmem>>
      %dma_wait3A_114 = tpu.memref_squeeze %dma_wait3A_113 : memref<1x128x64xf32, #tpu.memory_space<vmem>> -> memref<128x64xf32, #tpu.memory_space<vmem>>
      %dma_wait3A_115 = arith.constant 256 : i32
      %dma_wait3A_116 = tpu.memref_slice %arg5[%dma_wait3A_115] : memref<1024xi32, #tpu.memory_space<vmem>> -> memref<128xi32, #tpu.memory_space<vmem>>
      %dma_wait3A_117 = arith.constant 0 : i32
      %dma_wait3A_118 = arith.constant 0 : i32
      %dma_wait3A_119 = tpu.memref_slice %arg3[%dma_wait3A_117, %dma_wait3A_118] : memref<32768x64xf32, #tpu.memory_space<hbm>> -> memref<32768x64xf32, #tpu.memory_space<hbm>>
      tpu.wait_indirect_dma semaphore(%arg7 : memref<!tpu.dma_semaphore, #tpu.memory_space<semaphore_mem>>) src(%dma_wait3A_119 : memref<32768x64xf32, #tpu.memory_space<hbm>>) dst(%dma_wait3A_114 : memref<128x64xf32, #tpu.memory_space<vmem>>)
      %dma_wait3A_120 = arith.constant 3 : i32
      %dma_wait3A_121 = arith.constant 0 : i32
      %dma_wait3A_122 = arith.constant 0 : i32
      %dma_wait3A_123 = tpu.memref_slice %arg6[%dma_wait3A_120, %dma_wait3A_121, %dma_wait3A_122] : memref<8x128x64xf32, #tpu.memory_space<vmem>> -> memref<1x128x64xf32, #tpu.memory_space<vmem>>
      %dma_wait3A_124 = tpu.memref_squeeze %dma_wait3A_123 : memref<1x128x64xf32, #tpu.memory_space<vmem>> -> memref<128x64xf32, #tpu.memory_space<vmem>>
      %dma_wait3A_125 = arith.constant 384 : i32
      %dma_wait3A_126 = tpu.memref_slice %arg5[%dma_wait3A_125] : memref<1024xi32, #tpu.memory_space<vmem>> -> memref<128xi32, #tpu.memory_space<vmem>>
      %dma_wait3A_127 = arith.constant 0 : i32
      %dma_wait3A_128 = arith.constant 0 : i32
      %dma_wait3A_129 = tpu.memref_slice %arg3[%dma_wait3A_127, %dma_wait3A_128] : memref<32768x64xf32, #tpu.memory_space<hbm>> -> memref<32768x64xf32, #tpu.memory_space<hbm>>
      tpu.wait_indirect_dma semaphore(%arg7 : memref<!tpu.dma_semaphore, #tpu.memory_space<semaphore_mem>>) src(%dma_wait3A_129 : memref<32768x64xf32, #tpu.memory_space<hbm>>) dst(%dma_wait3A_124 : memref<128x64xf32, #tpu.memory_space<vmem>>)
      %dma_wait3A_130 = arith.constant 4 : i32
      %dma_wait3A_131 = arith.constant 0 : i32
      %dma_wait3A_132 = arith.constant 0 : i32
      %dma_wait3A_133 = tpu.memref_slice %arg6[%dma_wait3A_130, %dma_wait3A_131, %dma_wait3A_132] : memref<8x128x64xf32, #tpu.memory_space<vmem>> -> memref<1x128x64xf32, #tpu.memory_space<vmem>>
      %dma_wait3A_134 = tpu.memref_squeeze %dma_wait3A_133 : memref<1x128x64xf32, #tpu.memory_space<vmem>> -> memref<128x64xf32, #tpu.memory_space<vmem>>
      %dma_wait3A_135 = arith.constant 512 : i32
      %dma_wait3A_136 = tpu.memref_slice %arg5[%dma_wait3A_135] : memref<1024xi32, #tpu.memory_space<vmem>> -> memref<128xi32, #tpu.memory_space<vmem>>
      %dma_wait3A_137 = arith.constant 0 : i32
      %dma_wait3A_138 = arith.constant 0 : i32
      %dma_wait3A_139 = tpu.memref_slice %arg3[%dma_wait3A_137, %dma_wait3A_138] : memref<32768x64xf32, #tpu.memory_space<hbm>> -> memref<32768x64xf32, #tpu.memory_space<hbm>>
      tpu.wait_indirect_dma semaphore(%arg7 : memref<!tpu.dma_semaphore, #tpu.memory_space<semaphore_mem>>) src(%dma_wait3A_139 : memref<32768x64xf32, #tpu.memory_space<hbm>>) dst(%dma_wait3A_134 : memref<128x64xf32, #tpu.memory_space<vmem>>)
      %dma_wait3A_140 = arith.constant 5 : i32
      %dma_wait3A_141 = arith.constant 0 : i32
      %dma_wait3A_142 = arith.constant 0 : i32
      %dma_wait3A_143 = tpu.memref_slice %arg6[%dma_wait3A_140, %dma_wait3A_141, %dma_wait3A_142] : memref<8x128x64xf32, #tpu.memory_space<vmem>> -> memref<1x128x64xf32, #tpu.memory_space<vmem>>
      %dma_wait3A_144 = tpu.memref_squeeze %dma_wait3A_143 : memref<1x128x64xf32, #tpu.memory_space<vmem>> -> memref<128x64xf32, #tpu.memory_space<vmem>>
      %dma_wait3A_145 = arith.constant 640 : i32
      %dma_wait3A_146 = tpu.memref_slice %arg5[%dma_wait3A_145] : memref<1024xi32, #tpu.memory_space<vmem>> -> memref<128xi32, #tpu.memory_space<vmem>>
      %dma_wait3A_147 = arith.constant 0 : i32
      %dma_wait3A_148 = arith.constant 0 : i32
      %dma_wait3A_149 = tpu.memref_slice %arg3[%dma_wait3A_147, %dma_wait3A_148] : memref<32768x64xf32, #tpu.memory_space<hbm>> -> memref<32768x64xf32, #tpu.memory_space<hbm>>
      tpu.wait_indirect_dma semaphore(%arg7 : memref<!tpu.dma_semaphore, #tpu.memory_space<semaphore_mem>>) src(%dma_wait3A_149 : memref<32768x64xf32, #tpu.memory_space<hbm>>) dst(%dma_wait3A_144 : memref<128x64xf32, #tpu.memory_space<vmem>>)
      %dma_wait3A_150 = arith.constant 6 : i32
      %dma_wait3A_151 = arith.constant 0 : i32
      %dma_wait3A_152 = arith.constant 0 : i32
      %dma_wait3A_153 = tpu.memref_slice %arg6[%dma_wait3A_150, %dma_wait3A_151, %dma_wait3A_152] : memref<8x128x64xf32, #tpu.memory_space<vmem>> -> memref<1x128x64xf32, #tpu.memory_space<vmem>>
      %dma_wait3A_154 = tpu.memref_squeeze %dma_wait3A_153 : memref<1x128x64xf32, #tpu.memory_space<vmem>> -> memref<128x64xf32, #tpu.memory_space<vmem>>
      %dma_wait3A_155 = arith.constant 768 : i32
      %dma_wait3A_156 = tpu.memref_slice %arg5[%dma_wait3A_155] : memref<1024xi32, #tpu.memory_space<vmem>> -> memref<128xi32, #tpu.memory_space<vmem>>
      %dma_wait3A_157 = arith.constant 0 : i32
      %dma_wait3A_158 = arith.constant 0 : i32
      %dma_wait3A_159 = tpu.memref_slice %arg3[%dma_wait3A_157, %dma_wait3A_158] : memref<32768x64xf32, #tpu.memory_space<hbm>> -> memref<32768x64xf32, #tpu.memory_space<hbm>>
      tpu.wait_indirect_dma semaphore(%arg7 : memref<!tpu.dma_semaphore, #tpu.memory_space<semaphore_mem>>) src(%dma_wait3A_159 : memref<32768x64xf32, #tpu.memory_space<hbm>>) dst(%dma_wait3A_154 : memref<128x64xf32, #tpu.memory_space<vmem>>)
      %dma_wait3A_160 = arith.constant 7 : i32
      %dma_wait3A_161 = arith.constant 0 : i32
      %dma_wait3A_162 = arith.constant 0 : i32
      %dma_wait3A_163 = tpu.memref_slice %arg6[%dma_wait3A_160, %dma_wait3A_161, %dma_wait3A_162] : memref<8x128x64xf32, #tpu.memory_space<vmem>> -> memref<1x128x64xf32, #tpu.memory_space<vmem>>
      %dma_wait3A_164 = tpu.memref_squeeze %dma_wait3A_163 : memref<1x128x64xf32, #tpu.memory_space<vmem>> -> memref<128x64xf32, #tpu.memory_space<vmem>>
      %dma_wait3A_165 = arith.constant 896 : i32
      %dma_wait3A_166 = tpu.memref_slice %arg5[%dma_wait3A_165] : memref<1024xi32, #tpu.memory_space<vmem>> -> memref<128xi32, #tpu.memory_space<vmem>>
      %dma_wait3A_167 = arith.constant 0 : i32
      %dma_wait3A_168 = arith.constant 0 : i32
      %dma_wait3A_169 = tpu.memref_slice %arg3[%dma_wait3A_167, %dma_wait3A_168] : memref<32768x64xf32, #tpu.memory_space<hbm>> -> memref<32768x64xf32, #tpu.memory_space<hbm>>
      tpu.wait_indirect_dma semaphore(%arg7 : memref<!tpu.dma_semaphore, #tpu.memory_space<semaphore_mem>>) src(%dma_wait3A_169 : memref<32768x64xf32, #tpu.memory_space<hbm>>) dst(%dma_wait3A_164 : memref<128x64xf32, #tpu.memory_space<vmem>>)
      %mul3A_170 = arith.constant 32 : i32
      %mul3A_171 = arith.muli %add3A, %mul3A_170 : i32
      %add3A_172 = arith.addi %mul3A_171, %scan3A_6 : i32
      %mul3A_173 = arith.constant 8 : i32
      %mul3A_174 = arith.muli %add3A_172, %mul3A_173 : i32
      "tpu.region"() ({
        %run_scoped3A = tpu.sem_alloc : memref<!tpu.dma_semaphore, #tpu.memory_space<semaphore_mem>>
        %dma_start3A_175 = arith.constant 0 : i32
        %dma_start3A_176 = arith.constant 0 : i32
        %dma_start3A_177 = tpu.memref_slice %arg4[%mul3A_174, %dma_start3A_175, %dma_start3A_176] : memref<8192x128x64xf32, #tpu.memory_space<hbm>> -> memref<8x128x64xf32, #tpu.memory_space<hbm>>
        %dma_start3A_178 = arith.constant 0 : i32
        %dma_start3A_179 = arith.constant 0 : i32
        %dma_start3A_180 = tpu.memref_slice %arg4[%mul3A_174, %dma_start3A_178, %dma_start3A_179] : memref<8192x128x64xf32, #tpu.memory_space<hbm>> -> memref<8x128x64xf32, #tpu.memory_space<hbm>>
        tpu.enqueue_dma source(%arg6 : memref<8x128x64xf32, #tpu.memory_space<vmem>>) target(%dma_start3A_180 : memref<8x128x64xf32, #tpu.memory_space<hbm>>) target_semaphore(%run_scoped3A : memref<!tpu.dma_semaphore, #tpu.memory_space<semaphore_mem>>)
        %dma_wait3A_181 = arith.constant 0 : i32
        %dma_wait3A_182 = arith.constant 0 : i32
        %dma_wait3A_183 = tpu.memref_slice %arg4[%mul3A_174, %dma_wait3A_181, %dma_wait3A_182] : memref<8192x128x64xf32, #tpu.memory_space<hbm>> -> memref<8x128x64xf32, #tpu.memory_space<hbm>>
        %dma_wait3A_184 = arith.constant 0 : i32
        %dma_wait3A_185 = arith.constant 0 : i32
        %dma_wait3A_186 = tpu.memref_slice %arg4[%mul3A_174, %dma_wait3A_184, %dma_wait3A_185] : memref<8192x128x64xf32, #tpu.memory_space<hbm>> -> memref<8x128x64xf32, #tpu.memory_space<hbm>>
        tpu.wait_dma2 semaphore(%run_scoped3A : memref<!tpu.dma_semaphore, #tpu.memory_space<semaphore_mem>>) src(%arg6 : memref<8x128x64xf32, #tpu.memory_space<vmem>>) dst(%dma_wait3A_186 : memref<8x128x64xf32, #tpu.memory_space<hbm>>)
        tpu.yield
      }) : () -> ()
    }
    %scan3A_5 = arith.constant 32 : i32
    return
  }
}

module attributes {stable_mosaic.version = 14 : i64} {
  func.func @_combine_body(%arg0: memref<96x64xf32, #tpu.memory_space<vmem>>, %arg1: memref<32768x64xf32, #tpu.memory_space<vmem>>) attributes {dimension_semantics = [], scalar_prefetch = 0 : i64, scratch_operands = 0 : i64, tpu.core_type = #tpu.core_type<tc>} {
    %get3A = arith.constant 0 : index
    %get3A_0 = arith.constant 0 : index
    %get3A_1 = vector.load %arg0[%get3A, %get3A_0] : memref<96x64xf32, #tpu.memory_space<vmem>>, vector<96x64xf32>
    %slice3A = vector.extract_strided_slice %get3A_1 {offsets = [0, 0], sizes = [32, 64], strides = [1, 1]} : vector<96x64xf32> to vector<32x64xf32>
    %slice3A_2 = vector.extract_strided_slice %get3A_1 {offsets = [32, 0], sizes = [32, 64], strides = [1, 1]} : vector<96x64xf32> to vector<32x64xf32>
    %slice3A_3 = vector.extract_strided_slice %get3A_1 {offsets = [64, 0], sizes = [32, 64], strides = [1, 1]} : vector<96x64xf32> to vector<32x64xf32>
    %broadcast_in_dim3A = vector.shape_cast %slice3A : vector<32x64xf32> to vector<32x1x64xf32>
    %broadcast_in_dim3A_4 = vector.shape_cast %slice3A_2 : vector<32x64xf32> to vector<1x32x64xf32>
    %add3A = vector.broadcast %broadcast_in_dim3A : vector<32x1x64xf32> to vector<32x32x64xf32>
    %add3A_5 = vector.broadcast %broadcast_in_dim3A_4 : vector<1x32x64xf32> to vector<32x32x64xf32>
    %add3A_6 = arith.addf %add3A, %add3A_5 : vector<32x32x64xf32>
    %broadcast_in_dim3A_7 = vector.shape_cast %add3A_6 : vector<32x32x64xf32> to vector<32x32x1x64xf32>
    %broadcast_in_dim3A_8 = vector.shape_cast %slice3A_3 : vector<32x64xf32> to vector<1x1x32x64xf32>
    %add3A_9 = vector.broadcast %broadcast_in_dim3A_7 : vector<32x32x1x64xf32> to vector<32x32x32x64xf32>
    %add3A_10 = vector.broadcast %broadcast_in_dim3A_8 : vector<1x1x32x64xf32> to vector<32x32x32x64xf32>
    %add3A_11 = arith.addf %add3A_9, %add3A_10 : vector<32x32x32x64xf32>
    %reshape3A = vector.shape_cast %add3A_11 : vector<32x32x32x64xf32> to vector<32768x64xf32>
    %swap3A = arith.constant 0 : index
    %swap3A_12 = arith.constant 0 : index
    %swap3A_13 = vector.load %arg1[%swap3A, %swap3A_12] : memref<32768x64xf32, #tpu.memory_space<vmem>>, vector<32768x64xf32>
    tpu.vector_store %arg1[%swap3A, %swap3A_12], %reshape3A {strides = array<i32>} : memref<32768x64xf32, #tpu.memory_space<vmem>>, vector<32768x64xf32>,
    return
  }
}

module attributes {stable_mosaic.version = 14 : i64} {
  func.func @_relayout_body(%arg0: i32, %arg1: i32, %arg2: memref<128x8x128xf32, #tpu.memory_space<vmem>>, %arg3: memref<16x64x128xf32, #tpu.memory_space<vmem>>) attributes {dimension_semantics = [#tpu.dimension_semantics<arbitrary>, #tpu.dimension_semantics<arbitrary>], iteration_bounds = array<i64: 32, 16>, scalar_prefetch = 0 : i64, scratch_operands = 0 : i64, tpu.core_type = #tpu.core_type<tc>, window_params = [{transform_indices = @transform_0, window_bounds = array<i64: 128, 8, 128>}, {transform_indices = @transform_1, window_bounds = array<i64: 16, 64, 128>}]} {
    %get3A = arith.constant 0 : index
    %get3A_0 = arith.constant 0 : index
    %get3A_1 = arith.constant 0 : index
    %get3A_2 = vector.load %arg2[%get3A, %get3A_0, %get3A_1] : memref<128x8x128xf32, #tpu.memory_space<vmem>>, vector<128x8x128xf32>
    %slice3A = vector.extract_strided_slice %get3A_2 {offsets = [0, 0, 0], sizes = [128, 1, 64], strides = [1, 1, 1]} : vector<128x8x128xf32> to vector<128x1x64xf32>
    %squeeze3A = vector.shape_cast %slice3A : vector<128x1x64xf32> to vector<128x64xf32>
    %transpose3A = tpu.transpose %squeeze3A, [1, 0] : vector<128x64xf32> -> vector<64x128xf32>
    %swap3A = arith.constant 0 : index
    %swap3A_3 = arith.constant 0 : index
    %swap3A_4 = arith.constant 0 : index
    %swap3A_5 = vector.load %arg3[%swap3A, %swap3A_3, %swap3A_4] : memref<16x64x128xf32, #tpu.memory_space<vmem>>, vector<1x64x128xf32>
    %swap3A_6 = vector.shape_cast %swap3A_5 : vector<1x64x128xf32> to vector<64x128xf32>
    %swap3A_7 = vector.shape_cast %transpose3A : vector<64x128xf32> to vector<1x64x128xf32>
    tpu.vector_store %arg3[%swap3A, %swap3A_3, %swap3A_4], %swap3A_7 {strides = array<i32>} : memref<16x64x128xf32, #tpu.memory_space<vmem>>, vector<1x64x128xf32>,
    %slice3A_8 = vector.extract_strided_slice %get3A_2 {offsets = [0, 0, 64], sizes = [128, 1, 64], strides = [1, 1, 1]} : vector<128x8x128xf32> to vector<128x1x64xf32>
    %squeeze3A_9 = vector.shape_cast %slice3A_8 : vector<128x1x64xf32> to vector<128x64xf32>
    %transpose3A_10 = tpu.transpose %squeeze3A_9, [1, 0] : vector<128x64xf32> -> vector<64x128xf32>
    %swap3A_11 = arith.constant 1 : index
    %swap3A_12 = arith.constant 0 : index
    %swap3A_13 = arith.constant 0 : index
    %swap3A_14 = vector.load %arg3[%swap3A_11, %swap3A_12, %swap3A_13] : memref<16x64x128xf32, #tpu.memory_space<vmem>>, vector<1x64x128xf32>
    %swap3A_15 = vector.shape_cast %swap3A_14 : vector<1x64x128xf32> to vector<64x128xf32>
    %swap3A_16 = vector.shape_cast %transpose3A_10 : vector<64x128xf32> to vector<1x64x128xf32>
    tpu.vector_store %arg3[%swap3A_11, %swap3A_12, %swap3A_13], %swap3A_16 {strides = array<i32>} : memref<16x64x128xf32, #tpu.memory_space<vmem>>, vector<1x64x128xf32>,
    %slice3A_17 = vector.extract_strided_slice %get3A_2 {offsets = [0, 1, 0], sizes = [128, 1, 64], strides = [1, 1, 1]} : vector<128x8x128xf32> to vector<128x1x64xf32>
    %squeeze3A_18 = vector.shape_cast %slice3A_17 : vector<128x1x64xf32> to vector<128x64xf32>
    %transpose3A_19 = tpu.transpose %squeeze3A_18, [1, 0] : vector<128x64xf32> -> vector<64x128xf32>
    %swap3A_20 = arith.constant 2 : index
    %swap3A_21 = arith.constant 0 : index
    %swap3A_22 = arith.constant 0 : index
    %swap3A_23 = vector.load %arg3[%swap3A_20, %swap3A_21, %swap3A_22] : memref<16x64x128xf32, #tpu.memory_space<vmem>>, vector<1x64x128xf32>
    %swap3A_24 = vector.shape_cast %swap3A_23 : vector<1x64x128xf32> to vector<64x128xf32>
    %swap3A_25 = vector.shape_cast %transpose3A_19 : vector<64x128xf32> to vector<1x64x128xf32>
    tpu.vector_store %arg3[%swap3A_20, %swap3A_21, %swap3A_22], %swap3A_25 {strides = array<i32>} : memref<16x64x128xf32, #tpu.memory_space<vmem>>, vector<1x64x128xf32>,
    %slice3A_26 = vector.extract_strided_slice %get3A_2 {offsets = [0, 1, 64], sizes = [128, 1, 64], strides = [1, 1, 1]} : vector<128x8x128xf32> to vector<128x1x64xf32>
    %squeeze3A_27 = vector.shape_cast %slice3A_26 : vector<128x1x64xf32> to vector<128x64xf32>
    %transpose3A_28 = tpu.transpose %squeeze3A_27, [1, 0] : vector<128x64xf32> -> vector<64x128xf32>
    %swap3A_29 = arith.constant 3 : index
    %swap3A_30 = arith.constant 0 : index
    %swap3A_31 = arith.constant 0 : index
    %swap3A_32 = vector.load %arg3[%swap3A_29, %swap3A_30, %swap3A_31] : memref<16x64x128xf32, #tpu.memory_space<vmem>>, vector<1x64x128xf32>
    %swap3A_33 = vector.shape_cast %swap3A_32 : vector<1x64x128xf32> to vector<64x128xf32>
    %swap3A_34 = vector.shape_cast %transpose3A_28 : vector<64x128xf32> to vector<1x64x128xf32>
    tpu.vector_store %arg3[%swap3A_29, %swap3A_30, %swap3A_31], %swap3A_34 {strides = array<i32>} : memref<16x64x128xf32, #tpu.memory_space<vmem>>, vector<1x64x128xf32>,
    %slice3A_35 = vector.extract_strided_slice %get3A_2 {offsets = [0, 2, 0], sizes = [128, 1, 64], strides = [1, 1, 1]} : vector<128x8x128xf32> to vector<128x1x64xf32>
    %squeeze3A_36 = vector.shape_cast %slice3A_35 : vector<128x1x64xf32> to vector<128x64xf32>
    %transpose3A_37 = tpu.transpose %squeeze3A_36, [1, 0] : vector<128x64xf32> -> vector<64x128xf32>
    %swap3A_38 = arith.constant 4 : index
    %swap3A_39 = arith.constant 0 : index
    %swap3A_40 = arith.constant 0 : index
    %swap3A_41 = vector.load %arg3[%swap3A_38, %swap3A_39, %swap3A_40] : memref<16x64x128xf32, #tpu.memory_space<vmem>>, vector<1x64x128xf32>
    %swap3A_42 = vector.shape_cast %swap3A_41 : vector<1x64x128xf32> to vector<64x128xf32>
    %swap3A_43 = vector.shape_cast %transpose3A_37 : vector<64x128xf32> to vector<1x64x128xf32>
    tpu.vector_store %arg3[%swap3A_38, %swap3A_39, %swap3A_40], %swap3A_43 {strides = array<i32>} : memref<16x64x128xf32, #tpu.memory_space<vmem>>, vector<1x64x128xf32>,
    %slice3A_44 = vector.extract_strided_slice %get3A_2 {offsets = [0, 2, 64], sizes = [128, 1, 64], strides = [1, 1, 1]} : vector<128x8x128xf32> to vector<128x1x64xf32>
    %squeeze3A_45 = vector.shape_cast %slice3A_44 : vector<128x1x64xf32> to vector<128x64xf32>
    %transpose3A_46 = tpu.transpose %squeeze3A_45, [1, 0] : vector<128x64xf32> -> vector<64x128xf32>
    %swap3A_47 = arith.constant 5 : index
    %swap3A_48 = arith.constant 0 : index
    %swap3A_49 = arith.constant 0 : index
    %swap3A_50 = vector.load %arg3[%swap3A_47, %swap3A_48, %swap3A_49] : memref<16x64x128xf32, #tpu.memory_space<vmem>>, vector<1x64x128xf32>
    %swap3A_51 = vector.shape_cast %swap3A_50 : vector<1x64x128xf32> to vector<64x128xf32>
    %swap3A_52 = vector.shape_cast %transpose3A_46 : vector<64x128xf32> to vector<1x64x128xf32>
    tpu.vector_store %arg3[%swap3A_47, %swap3A_48, %swap3A_49], %swap3A_52 {strides = array<i32>} : memref<16x64x128xf32, #tpu.memory_space<vmem>>, vector<1x64x128xf32>,
    %slice3A_53 = vector.extract_strided_slice %get3A_2 {offsets = [0, 3, 0], sizes = [128, 1, 64], strides = [1, 1, 1]} : vector<128x8x128xf32> to vector<128x1x64xf32>
    %squeeze3A_54 = vector.shape_cast %slice3A_53 : vector<128x1x64xf32> to vector<128x64xf32>
    %transpose3A_55 = tpu.transpose %squeeze3A_54, [1, 0] : vector<128x64xf32> -> vector<64x128xf32>
    %swap3A_56 = arith.constant 6 : index
    %swap3A_57 = arith.constant 0 : index
    %swap3A_58 = arith.constant 0 : index
    %swap3A_59 = vector.load %arg3[%swap3A_56, %swap3A_57, %swap3A_58] : memref<16x64x128xf32, #tpu.memory_space<vmem>>, vector<1x64x128xf32>
    %swap3A_60 = vector.shape_cast %swap3A_59 : vector<1x64x128xf32> to vector<64x128xf32>
    %swap3A_61 = vector.shape_cast %transpose3A_55 : vector<64x128xf32> to vector<1x64x128xf32>
    tpu.vector_store %arg3[%swap3A_56, %swap3A_57, %swap3A_58], %swap3A_61 {strides = array<i32>} : memref<16x64x128xf32, #tpu.memory_space<vmem>>, vector<1x64x128xf32>,
    %slice3A_62 = vector.extract_strided_slice %get3A_2 {offsets = [0, 3, 64], sizes = [128, 1, 64], strides = [1, 1, 1]} : vector<128x8x128xf32> to vector<128x1x64xf32>
    %squeeze3A_63 = vector.shape_cast %slice3A_62 : vector<128x1x64xf32> to vector<128x64xf32>
    %transpose3A_64 = tpu.transpose %squeeze3A_63, [1, 0] : vector<128x64xf32> -> vector<64x128xf32>
    %swap3A_65 = arith.constant 7 : index
    %swap3A_66 = arith.constant 0 : index
    %swap3A_67 = arith.constant 0 : index
    %swap3A_68 = vector.load %arg3[%swap3A_65, %swap3A_66, %swap3A_67] : memref<16x64x128xf32, #tpu.memory_space<vmem>>, vector<1x64x128xf32>
    %swap3A_69 = vector.shape_cast %swap3A_68 : vector<1x64x128xf32> to vector<64x128xf32>
    %swap3A_70 = vector.shape_cast %transpose3A_64 : vector<64x128xf32> to vector<1x64x128xf32>
    tpu.vector_store %arg3[%swap3A_65, %swap3A_66, %swap3A_67], %swap3A_70 {strides = array<i32>} : memref<16x64x128xf32, #tpu.memory_space<vmem>>, vector<1x64x128xf32>,
    %slice3A_71 = vector.extract_strided_slice %get3A_2 {offsets = [0, 4, 0], sizes = [128, 1, 64], strides = [1, 1, 1]} : vector<128x8x128xf32> to vector<128x1x64xf32>
    %squeeze3A_72 = vector.shape_cast %slice3A_71 : vector<128x1x64xf32> to vector<128x64xf32>
    %transpose3A_73 = tpu.transpose %squeeze3A_72, [1, 0] : vector<128x64xf32> -> vector<64x128xf32>
    %swap3A_74 = arith.constant 8 : index
    %swap3A_75 = arith.constant 0 : index
    %swap3A_76 = arith.constant 0 : index
    %swap3A_77 = vector.load %arg3[%swap3A_74, %swap3A_75, %swap3A_76] : memref<16x64x128xf32, #tpu.memory_space<vmem>>, vector<1x64x128xf32>
    %swap3A_78 = vector.shape_cast %swap3A_77 : vector<1x64x128xf32> to vector<64x128xf32>
    %swap3A_79 = vector.shape_cast %transpose3A_73 : vector<64x128xf32> to vector<1x64x128xf32>
    tpu.vector_store %arg3[%swap3A_74, %swap3A_75, %swap3A_76], %swap3A_79 {strides = array<i32>} : memref<16x64x128xf32, #tpu.memory_space<vmem>>, vector<1x64x128xf32>,
    %slice3A_80 = vector.extract_strided_slice %get3A_2 {offsets = [0, 4, 64], sizes = [128, 1, 64], strides = [1, 1, 1]} : vector<128x8x128xf32> to vector<128x1x64xf32>
    %squeeze3A_81 = vector.shape_cast %slice3A_80 : vector<128x1x64xf32> to vector<128x64xf32>
    %transpose3A_82 = tpu.transpose %squeeze3A_81, [1, 0] : vector<128x64xf32> -> vector<64x128xf32>
    %swap3A_83 = arith.constant 9 : index
    %swap3A_84 = arith.constant 0 : index
    %swap3A_85 = arith.constant 0 : index
    %swap3A_86 = vector.load %arg3[%swap3A_83, %swap3A_84, %swap3A_85] : memref<16x64x128xf32, #tpu.memory_space<vmem>>, vector<1x64x128xf32>
    %swap3A_87 = vector.shape_cast %swap3A_86 : vector<1x64x128xf32> to vector<64x128xf32>
    %swap3A_88 = vector.shape_cast %transpose3A_82 : vector<64x128xf32> to vector<1x64x128xf32>
    tpu.vector_store %arg3[%swap3A_83, %swap3A_84, %swap3A_85], %swap3A_88 {strides = array<i32>} : memref<16x64x128xf32, #tpu.memory_space<vmem>>, vector<1x64x128xf32>,
    %slice3A_89 = vector.extract_strided_slice %get3A_2 {offsets = [0, 5, 0], sizes = [128, 1, 64], strides = [1, 1, 1]} : vector<128x8x128xf32> to vector<128x1x64xf32>
    %squeeze3A_90 = vector.shape_cast %slice3A_89 : vector<128x1x64xf32> to vector<128x64xf32>
    %transpose3A_91 = tpu.transpose %squeeze3A_90, [1, 0] : vector<128x64xf32> -> vector<64x128xf32>
    %swap3A_92 = arith.constant 10 : index
    %swap3A_93 = arith.constant 0 : index
    %swap3A_94 = arith.constant 0 : index
    %swap3A_95 = vector.load %arg3[%swap3A_92, %swap3A_93, %swap3A_94] : memref<16x64x128xf32, #tpu.memory_space<vmem>>, vector<1x64x128xf32>
    %swap3A_96 = vector.shape_cast %swap3A_95 : vector<1x64x128xf32> to vector<64x128xf32>
    %swap3A_97 = vector.shape_cast %transpose3A_91 : vector<64x128xf32> to vector<1x64x128xf32>
    tpu.vector_store %arg3[%swap3A_92, %swap3A_93, %swap3A_94], %swap3A_97 {strides = array<i32>} : memref<16x64x128xf32, #tpu.memory_space<vmem>>, vector<1x64x128xf32>,
    %slice3A_98 = vector.extract_strided_slice %get3A_2 {offsets = [0, 5, 64], sizes = [128, 1, 64], strides = [1, 1, 1]} : vector<128x8x128xf32> to vector<128x1x64xf32>
    %squeeze3A_99 = vector.shape_cast %slice3A_98 : vector<128x1x64xf32> to vector<128x64xf32>
    %transpose3A_100 = tpu.transpose %squeeze3A_99, [1, 0] : vector<128x64xf32> -> vector<64x128xf32>
    %swap3A_101 = arith.constant 11 : index
    %swap3A_102 = arith.constant 0 : index
    %swap3A_103 = arith.constant 0 : index
    %swap3A_104 = vector.load %arg3[%swap3A_101, %swap3A_102, %swap3A_103] : memref<16x64x128xf32, #tpu.memory_space<vmem>>, vector<1x64x128xf32>
    %swap3A_105 = vector.shape_cast %swap3A_104 : vector<1x64x128xf32> to vector<64x128xf32>
    %swap3A_106 = vector.shape_cast %transpose3A_100 : vector<64x128xf32> to vector<1x64x128xf32>
    tpu.vector_store %arg3[%swap3A_101, %swap3A_102, %swap3A_103], %swap3A_106 {strides = array<i32>} : memref<16x64x128xf32, #tpu.memory_space<vmem>>, vector<1x64x128xf32>,
    %slice3A_107 = vector.extract_strided_slice %get3A_2 {offsets = [0, 6, 0], sizes = [128, 1, 64], strides = [1, 1, 1]} : vector<128x8x128xf32> to vector<128x1x64xf32>
    %squeeze3A_108 = vector.shape_cast %slice3A_107 : vector<128x1x64xf32> to vector<128x64xf32>
    %transpose3A_109 = tpu.transpose %squeeze3A_108, [1, 0] : vector<128x64xf32> -> vector<64x128xf32>
    %swap3A_110 = arith.constant 12 : index
    %swap3A_111 = arith.constant 0 : index
    %swap3A_112 = arith.constant 0 : index
    %swap3A_113 = vector.load %arg3[%swap3A_110, %swap3A_111, %swap3A_112] : memref<16x64x128xf32, #tpu.memory_space<vmem>>, vector<1x64x128xf32>
    %swap3A_114 = vector.shape_cast %swap3A_113 : vector<1x64x128xf32> to vector<64x128xf32>
    %swap3A_115 = vector.shape_cast %transpose3A_109 : vector<64x128xf32> to vector<1x64x128xf32>
    tpu.vector_store %arg3[%swap3A_110, %swap3A_111, %swap3A_112], %swap3A_115 {strides = array<i32>} : memref<16x64x128xf32, #tpu.memory_space<vmem>>, vector<1x64x128xf32>,
    %slice3A_116 = vector.extract_strided_slice %get3A_2 {offsets = [0, 6, 64], sizes = [128, 1, 64], strides = [1, 1, 1]} : vector<128x8x128xf32> to vector<128x1x64xf32>
    %squeeze3A_117 = vector.shape_cast %slice3A_116 : vector<128x1x64xf32> to vector<128x64xf32>
    %transpose3A_118 = tpu.transpose %squeeze3A_117, [1, 0] : vector<128x64xf32> -> vector<64x128xf32>
    %swap3A_119 = arith.constant 13 : index
    %swap3A_120 = arith.constant 0 : index
    %swap3A_121 = arith.constant 0 : index
    %swap3A_122 = vector.load %arg3[%swap3A_119, %swap3A_120, %swap3A_121] : memref<16x64x128xf32, #tpu.memory_space<vmem>>, vector<1x64x128xf32>
    %swap3A_123 = vector.shape_cast %swap3A_122 : vector<1x64x128xf32> to vector<64x128xf32>
    %swap3A_124 = vector.shape_cast %transpose3A_118 : vector<64x128xf32> to vector<1x64x128xf32>
    tpu.vector_store %arg3[%swap3A_119, %swap3A_120, %swap3A_121], %swap3A_124 {strides = array<i32>} : memref<16x64x128xf32, #tpu.memory_space<vmem>>, vector<1x64x128xf32>,
    %slice3A_125 = vector.extract_strided_slice %get3A_2 {offsets = [0, 7, 0], sizes = [128, 1, 64], strides = [1, 1, 1]} : vector<128x8x128xf32> to vector<128x1x64xf32>
    %squeeze3A_126 = vector.shape_cast %slice3A_125 : vector<128x1x64xf32> to vector<128x64xf32>
    %transpose3A_127 = tpu.transpose %squeeze3A_126, [1, 0] : vector<128x64xf32> -> vector<64x128xf32>
    %swap3A_128 = arith.constant 14 : index
    %swap3A_129 = arith.constant 0 : index
    %swap3A_130 = arith.constant 0 : index
    %swap3A_131 = vector.load %arg3[%swap3A_128, %swap3A_129, %swap3A_130] : memref<16x64x128xf32, #tpu.memory_space<vmem>>, vector<1x64x128xf32>
    %swap3A_132 = vector.shape_cast %swap3A_131 : vector<1x64x128xf32> to vector<64x128xf32>
    %swap3A_133 = vector.shape_cast %transpose3A_127 : vector<64x128xf32> to vector<1x64x128xf32>
    tpu.vector_store %arg3[%swap3A_128, %swap3A_129, %swap3A_130], %swap3A_133 {strides = array<i32>} : memref<16x64x128xf32, #tpu.memory_space<vmem>>, vector<1x64x128xf32>,
    %slice3A_134 = vector.extract_strided_slice %get3A_2 {offsets = [0, 7, 64], sizes = [128, 1, 64], strides = [1, 1, 1]} : vector<128x8x128xf32> to vector<128x1x64xf32>
    %squeeze3A_135 = vector.shape_cast %slice3A_134 : vector<128x1x64xf32> to vector<128x64xf32>
    %transpose3A_136 = tpu.transpose %squeeze3A_135, [1, 0] : vector<128x64xf32> -> vector<64x128xf32>
    %swap3A_137 = arith.constant 15 : index
    %swap3A_138 = arith.constant 0 : index
    %swap3A_139 = arith.constant 0 : index
    %swap3A_140 = vector.load %arg3[%swap3A_137, %swap3A_138, %swap3A_139] : memref<16x64x128xf32, #tpu.memory_space<vmem>>, vector<1x64x128xf32>
    %swap3A_141 = vector.shape_cast %swap3A_140 : vector<1x64x128xf32> to vector<64x128xf32>
    %swap3A_142 = vector.shape_cast %transpose3A_136 : vector<64x128xf32> to vector<1x64x128xf32>
    tpu.vector_store %arg3[%swap3A_137, %swap3A_138, %swap3A_139], %swap3A_142 {strides = array<i32>} : memref<16x64x128xf32, #tpu.memory_space<vmem>>, vector<1x64x128xf32>,
    return
  }
  func.func @transform_0(%arg0: i32, %arg1: i32) -> (i32, i32, i32) {
    %c0_i32 = arith.constant 0 : i32
    %c0_i32_0 = arith.constant 0 : i32
    return %arg0, %arg1, %c0_i32 : i32, i32, i32
  }
  func.func @transform_1(%arg0: i32, %arg1: i32) -> (i32, i32, i32) {
    %c0_i32 = arith.constant 0 : i32
    %c0_i32_0 = arith.constant 0 : i32
    return %arg1, %c0_i32, %arg0 : i32, i32, i32
  }
}

</mosaic_0001>

<sc_bundles>
// kernel: kernel.5.cloned.1.call-start
scs
__scs_entry_jumppad:
0x0: {  	(pc) =	sbr.rel $0x88, $3  }
0x1: {  	(tag) =	ssettag $0x0;
	lr =	simm.s32 $0x1  }
0x2: {  	[smem:$0x3F9F] =	sst lr;
	_ =	strace $0xD0000000  }
0x3: {  	_ = 	snop  }
0x4: {  	_ = 	snop  }
0x5: {  	_ = 	snop  }
0x6: {  	_ = 	snop  }
0x7: {  	_ = 	snop  }
__scs_overlays_trampoline_lowered:
0x8: {  	[smem:$0x3FAE] =	sst s0  }
0x9: {  	[smem:$0x3FAF] =	sst s1  }
0xa: {  	[smem:$0x3FB0] =	sst s2  }
0xb: {  	[smem:$0x3FB1] =	sst s3  }
0xc: {  	[smem:$0x3FB2] =	sst s4  }
0xd: {  	[smem:$0x3FB3] =	sst s5  }
0xe: {  	[smem:$0x3FB4] =	sst s6  }
0xf: {  	[smem:$0x3FB5] =	sst s7  }
0x10: {  	[smem:$0x3FB6] =	sst s8  }
0x11: {  	[smem:$0x3FB7] =	sst s9;
	s0 =	simm.s32 @!p0 $0x0  }
0x12: {  	s1 =	sld [smem:$0x3F9D];
	s0 =	simm.s32 @p0 $0x1  }
0x13: {  	[smem:$0x3FB8] =	sst s0;
	s0 =	simm.s32 @!p1 $0x0  }
0x14: {  	s2 =	sld [smem:$0x3F9C];
	s0 =	simm.s32 @p1 $0x1  }
0x15: {  	[smem:$0x3FB9] =	sst s0;
	s0 =	simm.s32 @!p2 $0x0  }
0x16: {  	s3 =	sld [smem:$0x3FDB];
	s0 =	simm.s32 @p2 $0x1  }
0x17: {  	s4 =	simm.s32 $0x1BF5;
	[smem:$0x3FBB] =	sst s0  }
0x18: {  	s0 =	sld [smem:$0x3F9E];
	_ =	swait.ge [sflag:s4], $0x0  }
0x19: {  	s7 =	sld [smem:$0x3F9F]  }
0x1a: {  	s8 =	sadd.s32 $0xFFFFE003, lr  }
0x1b: {  	s9 =	sadd.s32 $0xFFFFFEF7, lr;
	s5 =	simm.s32 $0xFFFFFFFF;
	p2 =	slt.u32 s8, $0xFFFFF086  }
0x1c: {  	p1 =	slt.u32 s9, $0xF7A;
	s5 =	simm.s32 @!p2 $0x0  }
0x1d: {  	s5 =	simm.s32 @p1 $0x1;
	p0 =	seq.s32 s7, s2  }
0x1e: {  	s7 =	smul.u32 @!p0 $0xF7A, s2;
	p2 =	seq.s32 @!p0 s5, $0x0  }
0x1f: {  	s9 =	smul.u32 $0xF7A, s1;
	s8 =	simm.s32 @!p0 $0x1BF5;
	p2 =	por !p2, p0  }
0x20: {  	[sflag:s8] =	ssyncset.s32 @!p0 $0xFFFFF086;
	s6 =	sadd.s32 @!p0 s3, s7;
	s7 =	simm.s32 @!p0 $0x108  }
0x21: {  	s3 =	sadd.s32 s3, s9;
	s6 =	sadd.s32 @!p0 $0x88, s6;
	s7 =	simm.s32 @p2 $0x1082  }
0x22: {  	[simem:s7], [sflag:s8] =	dma.local @!p0 [hbm:s6], $0xF7A  }
0x23: {  	s9 =	sor.u32 $0xD0000000, s2;
	s6 =	simm.s32 $0x108;
	_ =	swait.ge @!p0 [sflag:s8], $0x0  }
0x24: {  	s3 =	sadd.s32 $0x88, s3;
	s6 =	simm.s32 @!p1 $0x1082;
	[sflag:s4] =	ssyncset.s32 $0xFFFFF086  }
0x25: {  	[simem:s6], [sflag:s4] =	dma.local [hbm:s3], $0xF7A  }
0x26: {  	[smem:$0x3F9F] =	sst s1;
	(tag) =	ssettag s2;
	_ =	strace s9  }
0x27: {  	s1 =	sld [smem:$0x3FAF]  }
0x28: {  	s2 =	sld [smem:$0x3FB0]  }
0x29: {  	s4 =	sld [smem:$0x3FB2]  }
0x2a: {  	p0 =	seq.s32 s5, $0x0;
	s5 =	sld [smem:$0x3FB3]  }
0x2b: {  	s6 =	sld [smem:$0x3FB4]  }
0x2c: {  	s7 =	sld [smem:$0x3FB5]  }
0x2d: {  	s3 =	simm.s32 $0x108;
	s8 =	sld [smem:$0x3FB6]  }
0x2e: {  	s3 =	simm.s32 @!p0 $0x1082;
	s9 =	sld [smem:$0x3FB7]  }
0x2f: {  	lr =	sadd.s32 s0, s3;
	s0 =	sld [smem:$0x3FAE]  }
0x30: {  	s3 =	sld [smem:$0x3FB1]  }
0x31: {  	[smem:$0x3FBA] =	sst s10  }
0x32: {  	s10 =	sld [smem:$0x3FB8];
	_ =	sdelay $0x3  }
0x33: {  	p0 =	seq.s32 s10, $0x1;
	s10 =	sld [smem:$0x3FBA];
	_ =	sdelay $0x3  }
0x34: {  	[smem:$0x3FBA] =	sst s10  }
0x35: {  	s10 =	sld [smem:$0x3FB9];
	_ =	sdelay $0x3  }
0x36: {  	p1 =	seq.s32 s10, $0x1;
	s10 =	sld [smem:$0x3FBA];
	_ =	sdelay $0x3  }
0x37: {  	[smem:$0x3FBA] =	sst s10  }
0x38: {  	s10 =	sld [smem:$0x3FBB]  }
0x39: {  	_ = 	snop;
	(pc) =	sbr.ind lr, $3  }
0x3a: {  	_ = 	snop  }
0x3b: {  	_ = 	snop  }
0x3c: {  	p2 =	seq.s32 s10, $0x1;
	s10 =	sld [smem:$0x3FBA]  }
0x3d: {  	_ =	shalt  }
0x3e: {  	_ =	shalt  }
0x3f: {  	_ =	shalt  }
0x40: {  	_ =	shalt  }
0x41: {  	_ =	shalt  }
0x42: {  	_ =	shalt  }
0x43: {  	_ =	shalt  }
0x44: {  	_ =	shalt  }
0x45: {  	_ =	shalt  }
0x46: {  	_ =	shalt  }
0x47: {  	_ =	shalt  }
0x48: {  	_ =	shalt  }
0x49: {  	_ =	shalt  }
0x4a: {  	_ =	shalt  }
0x4b: {  	_ =	shalt  }
0x4c: {  	_ =	shalt  }
0x4d: {  	_ =	shalt  }
0x4e: {  	_ =	shalt  }
0x4f: {  	_ =	shalt  }
0x50: {  	_ =	shalt  }
0x51: {  	_ =	shalt  }
0x52: {  	_ =	shalt  }
0x53: {  	_ =	shalt  }
0x54: {  	_ =	shalt  }
0x55: {  	_ =	shalt  }
0x56: {  	_ =	shalt  }
0x57: {  	_ =	shalt  }
0x58: {  	_ =	shalt  }
0x59: {  	_ =	shalt  }
0x5a: {  	_ =	shalt  }
0x5b: {  	_ =	shalt  }
0x5c: {  	_ =	shalt  }
0x5d: {  	_ =	shalt  }
0x5e: {  	_ =	shalt  }
0x5f: {  	_ =	shalt  }
0x60: {  	_ =	shalt  }
0x61: {  	_ =	shalt  }
0x62: {  	_ =	shalt  }
0x63: {  	_ =	shalt  }
0x64: {  	_ =	shalt  }
0x65: {  	_ =	shalt  }
0x66: {  	_ =	shalt  }
0x67: {  	_ =	shalt  }
0x68: {  	_ =	shalt  }
0x69: {  	_ =	shalt  }
0x6a: {  	_ =	shalt  }
0x6b: {  	_ =	shalt  }
0x6c: {  	_ =	shalt  }
0x6d: {  	_ =	shalt  }
0x6e: {  	_ =	shalt  }
0x6f: {  	_ =	shalt  }
0x70: {  	_ =	shalt  }
0x71: {  	_ =	shalt  }
0x72: {  	_ =	shalt  }
0x73: {  	_ =	shalt  }
0x74: {  	_ =	shalt  }
0x75: {  	_ =	shalt  }
0x76: {  	_ =	shalt  }
0x77: {  	_ =	shalt  }
0x78: {  	_ =	shalt  }
0x79: {  	_ =	shalt  }
0x7a: {  	_ =	shalt  }
0x7b: {  	_ =	shalt  }
0x7c: {  	_ =	shalt  }
0x7d: {  	_ =	shalt  }
0x7e: {  	_ =	shalt  }
0x7f: {  	_ =	shalt  }
0x80: {  	_ =	shalt  }
0x81: {  	_ =	shalt  }
0x82: {  	_ =	shalt  }
0x83: {  	_ =	shalt  }
0x84: {  	_ =	shalt  }
0x85: {  	_ =	shalt  }
0x86: {  	_ =	shalt  }
0x87: {  	_ =	shalt  }
.Lfunc_end0:
.L_simem_size_0:
called_computation_lowered:
.L_overlay_start_0:
0x88: {  	s2 =	sld [smem:$0x3FD9]  }
0x89: {  	s3 =	sld [smem:$0x3FFE];
	_ =	sdelay $0x1  }
0x8a: {  	s1 =	srdreg.scid  }
0x8b: {  	s0 =	sand.u32 $0x1, s1  }
0x8c: {  	s16 =	sshll.u32 s0, $0xA;
	s2 =	sadd.s32 s3, s2  }
0x8d: {  	s2 =	sadd.s32 s2, s16  }
0x8e: {  	[smem:$0x3FC6] =	sst s2  }
0x8f: {  	_ = 	snop  }
0x90: {  	(tm) =	ssettm $0x1  }
0x91: {  	s17 =	sld [smem:$0x3FFB];
	_ =	sdelay $0x3  }
0x92: {  	_ =	strace s17  }
0x93: {  	s2 =	sld [smem:$0x3FFC];
	_ =	sdelay $0x3  }
0x94: {  	_ =	strace s2  }
0x95: {  	s2 =	sld [smem:$0x3FFD];
	_ =	sdelay $0x3  }
0x96: {  	_ =	strace s2  }
0x97: {  	_ =	strace $0x8FFFFFFF  }
0x98: {  	s18 =	sld [smem:$0x3FDB];
	_ =	sdelay $0x1  }
0x99: {  	s19 =	simm.s32 $_scs_section_size  }
0x9a: {  	s4 =	simm.s32 $_size__tile_overlayer_lowered;
	s5 =	simm.s32 $_tile_overlayer_lowered  }
0x9b: {  	s22 =	simm.s32 $0x1BFF;
	s21 =	sshll.u32 s5, $0x1;
	s2 =	sadd.s32 s19, s18  }
0x9c: {  	s6 =	simm.s32 $0x0;
	s20 =	sshll.u32 s4, $0x1;
	s4 =	sadd.s32 s21, s2  }
0x9d: {  	[timem:s6], [sflag:s22] =	dma.local [hbm:s4], s20  }
0x9e: {  	_ =	swait.ge [sflag:s22], s20  }
0x9f: {  	s3 =	ssub.s32 $0x0, s20;
	[sflag:s22] =	ssyncset.done $0x0  }
0xa0: {  	[sflag:s22] =	ssyncadd.s32 s3;
	_ =	sdelay $0x1  }
0xa1: {  	s23 =	simm.s32 $0x1B8B  }
0xa2: {  	_ =	swait.ge [sflag:s23], $0x1  }
0xa3: {  	[sflag:s23] =	ssyncset.done $0x0  }
0xa4: {  	s25 =	simm.s32 $0x1B8E;
	s24 =	sld [smem:$0x3FFE];
	[sflag:s23] =	ssyncadd.s32 $0xFFFFFFFF  }
0xa5: {  	s26 =	simm.s32 $execute0_lowered;
	[smem:$0x3FD2] =	sst s25  }
0xa6: {  	s4 =	sshll.u32 s26, $0x1;
	_ =	strace $0x80000046;
	[dreg:$0x1] =	wrdreg $0xFFFFFFFF  }
0xa7: {  	s28 =	simm.s32 $_size_execute0_lowered;
	s2 =	sadd.s32 s2, s4;
	[dreg:$0x0] =	wrdreg $0x0  }
0xa8: {  	s4 =	sshll.u32 s28, $0x1;
	[dreg:$0x2] =	wrdreg s2  }
0xa9: {  	[dreg:$0x3] =	wrdreg s4  }
0xaa: {  	[dreg:$0x4] =	wrdreg $0xC0  }
0xab: {  	_ =	task [dreg:s6], $0x5FFFF  }
0xac: {  	[dreg:$0x1] =	wrdreg $0xFFFFFFFF  }
0xad: {  	[dreg:$0x0] =	wrdreg $0x60  }
0xae: {  	[dreg:$0x2] =	wrdreg s24  }
0xaf: {  	[dreg:$0x3] =	wrdreg $0x9  }
0xb0: {  	_ =	task.clear_ibuf [dreg:s6], $0x4FFFF;
	_ =	strace $0x90000046  }
0xb1: {  	s29 =	simm.s32 $0x9;
	_ =	strace $0x80000048  }
0xb2: {  	_ =	swait.ge [sflag:s29], $0x1  }
0xb3: {  	[sflag:s29] =	ssyncadd.s32 $0xFFFFFFFF  }
0xb4: {  	_ =	strace $0x90000048  }
0xb5: {  	_ =	sfence  }
0xb6: {  	s30 =	sld [smem:$0x0];
	_ =	sdelay $0x2  }
0xb7: {  	s31 =	sshll.u32 s1, $0xD;
	s1 =	sshrl.u32 s1, $0x2  }
0xb8: {  	s3 =	sand.u32 $0x4000, s31;
	s1 =	sadd.s32 s1, s30  }
0xb9: {  	s0 =	sor.u32 s3, s0;
	s1 =	sshll.u32 s1, $0x11  }
0xba: {  	s0 =	sor.u32 s1, s0  }
0xbb: {  	s0 =	sadd.s32 $0x8F2B, s0  }
0xbc: {  	[sflag:s0] =	ssyncadd.remote.s32 $0x1  }
0xbd: {  	_ =	sfence.sel $0xFFFF  }
0xbe: {  	[dreg:$0x0] =	wrdreg $0xFFFFFFFF;
	(pc) =	sbr.abs _section_cstart, $3  }
0xbf: {  	[dreg:$0x1] =	wrdreg $0xFFFFFFFF  }
0xc0: {  	_ =	task.clear_ibuf [dreg:s6], $0x2FFFF;
	_ =	strace $0x9FFFFFFF  }
0xc1: {  	(tm) =	ssettm $0x7FFFFFFF  }
tec
execute0_lowered:
.L_overlay_start_1:
0x0: {  	(tag) =	ssettag $0x1  }
0x1: {  	s4 =	rddreg [dreg:$0x0]  }
0x2: {  	s0 =	rddreg [dreg:$0x1]  }
0x3: {  	s2 =	simm.s32 $0x0;
	s1 =	stileid.u32;
	s5 =	srdreg.scid  }
0x4: {  	s10 =	simm.s32 $0x2400;
	s11 =	simm.s32 $0x100;
	s12 =	simm.s32 $0x4400  }
0x5: {  	s13 =	simm.s32 $0x180;
	s14 =	simm.s32 $0x6400;
	s15 =	simm.s32 $0x200  }
0x6: {  	s16 =	simm.s32 $0x8400;
	s17 =	simm.s32 $0x280;
	s18 =	simm.s32 $0xA400  }
0x7: {  	s19 =	simm.s32 $0x300;
	s20 =	simm.s32 $0xC400;
	s21 =	simm.s32 $0x380  }
0x8: {  	s22 =	simm.s32 $0xE400;
	s23 =	simm.s32 $0x1;
	s24 =	simm.s32 $0x0  }
0x9: {  	[smem:$0x7FF] =	sst s2;
	s3 =	sshll.u32 s1, $0xD;
	s7 =	sshll.u32 s1, $0x13  }
0xa: {  	s5 =	sand.u32 $0x1, s5;
	_ =	strace $0x80000047;
	s6 =	sadd.s32 s3, s4  }
0xb: {  	s3 =	sadd.s32 $0x400, s4;
	s4 =	sadd.s32 s7, s4;
	s30 =	ssub.s32 $0x2, s5  }
0xc: {  	s9 =	sshll.u32 s5, $0x12;
	s5 =	sshll.u32 s5, $0xC;
	s8 =	sshrl.u32 s30, $0x1  }
0xd: {  	s31 =	sadd.s32 s9, s4;
	s6 =	sadd.s32 s5, s6;
	s9 =	simm.s32 $0x400  }
0xe: {  	s7 =	ssub.s32 s30, s8;
	s5 =	sadd.s32 $0x60400, s31;
	s6 =	sadd.s32 $0x40400, s6  }
0xf: {  	s8 =	simm.s32 $0x80;
	s4 =	smax.u32 s7, $0x1;
	s7 =	simm.s32 $0x2  }
.LBB2_1:
0x10: {  	s25 =	sadd.s32 $0x0, s6  }
0x11: {  	[tilespmem:s2], [sflag:$0x2] =	stream.linear.gather [hbm4b:s25+s2], $0x400, $0x38;
	[tilespmem:$0x10400] =	vst v63  }
0x12: {  	_ =	swait.ge [sflag:s7], $0x400  }
0x13: {  	[sflag:s7] =	ssyncset.done $0x0  }
0x14: {  	[sflag:s7] =	ssyncadd.s32 $0xFFFFFC00  }
0x15: {  	[tilespmem:s9], [sflag:$0x1] =	stream.indirect.gather [hbm4b:s3+s8], $0x40, s2, s8, $0xb8;
	[tilespmem:$0x10400] =	vst v63  }
0x16: {  	_ = 	snop  }
0x17: {  	[tilespmem:s10], [sflag:$0x1] =	stream.indirect.gather [hbm4b:s3+s8], $0x40, s8, s8, $0xb8;
	[tilespmem:$0x10400] =	vst v63  }
0x18: {  	_ = 	snop  }
0x19: {  	[tilespmem:s12], [sflag:$0x1] =	stream.indirect.gather [hbm4b:s3+s8], $0x40, s11, s8, $0xb8;
	[tilespmem:$0x10400] =	vst v63  }
0x1a: {  	_ = 	snop  }
0x1b: {  	[tilespmem:s14], [sflag:$0x1] =	stream.indirect.gather [hbm4b:s3+s8], $0x40, s13, s8, $0xb8;
	[tilespmem:$0x10400] =	vst v63  }
0x1c: {  	_ = 	snop  }
0x1d: {  	[tilespmem:s16], [sflag:$0x1] =	stream.indirect.gather [hbm4b:s3+s8], $0x40, s15, s8, $0xb8;
	[tilespmem:$0x10400] =	vst v63  }
0x1e: {  	_ = 	snop  }
0x1f: {  	[tilespmem:s18], [sflag:$0x1] =	stream.indirect.gather [hbm4b:s3+s8], $0x40, s17, s8, $0xb8;
	[tilespmem:$0x10400] =	vst v63  }
0x20: {  	_ = 	snop  }
0x21: {  	[tilespmem:s20], [sflag:$0x1] =	stream.indirect.gather [hbm4b:s3+s8], $0x40, s19, s8, $0xb8;
	[tilespmem:$0x10400] =	vst v63  }
0x22: {  	_ = 	snop  }
0x23: {  	[tilespmem:s22], [sflag:$0x1] =	stream.indirect.gather [hbm4b:s3+s8], $0x40, s21, s8, $0xb8;
	[tilespmem:$0x10400] =	vst v63  }
0x24: {  	_ =	swait.ge [sflag:s23], $0x2000  }
0x25: {  	[sflag:s23] =	ssyncset.done $0x0  }
0x26: {  	[sflag:s23] =	ssyncadd.s32 $0xFFFFE000  }
0x27: {  	_ =	swait.ge [sflag:s23], $0x2000  }
0x28: {  	[sflag:s23] =	ssyncset.done $0x0  }
0x29: {  	[sflag:s23] =	ssyncadd.s32 $0xFFFFE000  }
0x2a: {  	_ =	swait.ge [sflag:s23], $0x2000  }
0x2b: {  	[sflag:s23] =	ssyncset.done $0x0  }
0x2c: {  	[sflag:s23] =	ssyncadd.s32 $0xFFFFE000  }
0x2d: {  	_ =	swait.ge [sflag:s23], $0x2000  }
0x2e: {  	[sflag:s23] =	ssyncset.done $0x0  }
0x2f: {  	[sflag:s23] =	ssyncadd.s32 $0xFFFFE000  }
0x30: {  	_ =	swait.ge [sflag:s23], $0x2000  }
0x31: {  	[sflag:s23] =	ssyncset.done $0x0  }
0x32: {  	[sflag:s23] =	ssyncadd.s32 $0xFFFFE000  }
0x33: {  	_ =	swait.ge [sflag:s23], $0x2000  }
0x34: {  	[sflag:s23] =	ssyncset.done $0x0  }
0x35: {  	[sflag:s23] =	ssyncadd.s32 $0xFFFFE000  }
0x36: {  	_ =	swait.ge [sflag:s23], $0x2000  }
0x37: {  	[sflag:s23] =	ssyncset.done $0x0  }
0x38: {  	[sflag:s23] =	ssyncadd.s32 $0xFFFFE000  }
0x39: {  	_ =	swait.ge [sflag:s23], $0x2000  }
0x3a: {  	[sflag:s23] =	ssyncset.done $0x0  }
0x3b: {  	[sflag:s23] =	ssyncadd.s32 $0xFFFFE000  }
0x3c: {  	[hbm4b:s5+s2] =	stream.linear.scatter [tilespmem:s9], [sflag:$0x2], $0x10000, $0x38;
	[tilespmem:$0x10400] =	vst v63  }
0x3d: {  	s26 =	simm.s32 $0x80;
	_ =	swait.ge [sflag:s7], $0x10000  }
0x3e: {  	s29 =	simm.s32 $0x100;
	s25 =	sadd.s32 $0x2000, s5;
	[sflag:s7] =	ssyncset.done $0x0  }
.LBB2_2:
0x3f: {  	s30 =	sadd.s32 s26, s6  }
0x40: {  	[sflag:s7] =	ssyncadd.s32 $0xFFFF0000;
	s26 =	smov.u32 s29;
	s28 =	sadd.s32 $0x80, s29  }
0x41: {  	[tilespmem:s2], [sflag:$0x2] =	stream.linear.gather [hbm4b:s30+s2], $0x400, $0x38;
	[tilespmem:$0x10400] =	vst v63  }
0x42: {  	p0 =	sne.s32 s29, $0xF80;
	_ =	swait.ge [sflag:s7], $0x400  }
0x43: {  	[sflag:s7] =	ssyncset.done $0x0  }
0x44: {  	[sflag:s7] =	ssyncadd.s32 $0xFFFFFC00  }
0x45: {  	[tilespmem:s9], [sflag:$0x1] =	stream.indirect.gather [hbm4b:s3+s8], $0x40, s2, s8, $0xb8;
	[tilespmem:$0x10400] =	vst v63  }
0x46: {  	_ = 	snop  }
0x47: {  	[tilespmem:s10], [sflag:$0x1] =	stream.indirect.gather [hbm4b:s3+s8], $0x40, s8, s8, $0xb8;
	[tilespmem:$0x10400] =	vst v63  }
0x48: {  	_ = 	snop  }
0x49: {  	[tilespmem:s12], [sflag:$0x1] =	stream.indirect.gather [hbm4b:s3+s8], $0x40, s11, s8, $0xb8;
	[tilespmem:$0x10400] =	vst v63  }
0x4a: {  	_ = 	snop  }
0x4b: {  	[tilespmem:s14], [sflag:$0x1] =	stream.indirect.gather [hbm4b:s3+s8], $0x40, s13, s8, $0xb8;
	[tilespmem:$0x10400] =	vst v63  }
0x4c: {  	_ = 	snop  }
0x4d: {  	[tilespmem:s16], [sflag:$0x1] =	stream.indirect.gather [hbm4b:s3+s8], $0x40, s15, s8, $0xb8;
	[tilespmem:$0x10400] =	vst v63  }
0x4e: {  	_ = 	snop  }
0x4f: {  	[tilespmem:s18], [sflag:$0x1] =	stream.indirect.gather [hbm4b:s3+s8], $0x40, s17, s8, $0xb8;
	[tilespmem:$0x10400] =	vst v63  }
0x50: {  	_ = 	snop  }
0x51: {  	[tilespmem:s20], [sflag:$0x1] =	stream.indirect.gather [hbm4b:s3+s8], $0x40, s19, s8, $0xb8;
	[tilespmem:$0x10400] =	vst v63  }
0x52: {  	_ = 	snop  }
0x53: {  	[tilespmem:s22], [sflag:$0x1] =	stream.indirect.gather [hbm4b:s3+s8], $0x40, s21, s8, $0xb8;
	[tilespmem:$0x10400] =	vst v63  }
0x54: {  	_ =	swait.ge [sflag:s23], $0x2000  }
0x55: {  	[sflag:s23] =	ssyncset.done $0x0  }
0x56: {  	[sflag:s23] =	ssyncadd.s32 $0xFFFFE000  }
0x57: {  	_ =	swait.ge [sflag:s23], $0x2000  }
0x58: {  	[sflag:s23] =	ssyncset.done $0x0  }
0x59: {  	[sflag:s23] =	ssyncadd.s32 $0xFFFFE000  }
0x5a: {  	_ =	swait.ge [sflag:s23], $0x2000  }
0x5b: {  	[sflag:s23] =	ssyncset.done $0x0  }
0x5c: {  	[sflag:s23] =	ssyncadd.s32 $0xFFFFE000  }
0x5d: {  	_ =	swait.ge [sflag:s23], $0x2000  }
0x5e: {  	[sflag:s23] =	ssyncset.done $0x0  }
0x5f: {  	[sflag:s23] =	ssyncadd.s32 $0xFFFFE000  }
0x60: {  	_ =	swait.ge [sflag:s23], $0x2000  }
0x61: {  	[sflag:s23] =	ssyncset.done $0x0  }
0x62: {  	[sflag:s23] =	ssyncadd.s32 $0xFFFFE000  }
0x63: {  	_ =	swait.ge [sflag:s23], $0x2000  }
0x64: {  	[sflag:s23] =	ssyncset.done $0x0  }
0x65: {  	[sflag:s23] =	ssyncadd.s32 $0xFFFFE000  }
0x66: {  	_ =	swait.ge [sflag:s23], $0x2000  }
0x67: {  	[sflag:s23] =	ssyncset.done $0x0  }
0x68: {  	[sflag:s23] =	ssyncadd.s32 $0xFFFFE000  }
0x69: {  	_ =	swait.ge [sflag:s23], $0x2000  }
.Ltmp0:
0x6a: {  	[sflag:s23] =	ssyncset.done $0x0;
	(pc) =	sbr.rel @p0 .LBB2_2-.Ltmp0, $4  }
0x6b: {  	[sflag:s23] =	ssyncadd.s32 $0xFFFFE000  }
0x6c: {  	[hbm4b:s25+s2] =	stream.linear.scatter [tilespmem:s9], [sflag:$0x2], $0x10000, $0x38;
	[tilespmem:$0x10400] =	vst v63  }
0x6d: {  	_ =	swait.ge [sflag:s7], $0x10000  }
0x6e: {  	s29 =	smov.u32 s28;
	s25 =	sadd.s32 $0x2000, s25;
	[sflag:s7] =	ssyncset.done $0x0  }
0x6f: {  	s26 =	sadd.s32 s26, s6;
	[sflag:s7] =	ssyncadd.s32 $0xFFFF0000  }
0x70: {  	[tilespmem:s2], [sflag:$0x2] =	stream.linear.gather [hbm4b:s26+s2], $0x400, $0x38;
	[tilespmem:$0x10400] =	vst v63  }
0x71: {  	_ =	swait.ge [sflag:s7], $0x400  }
0x72: {  	[sflag:s7] =	ssyncset.done $0x0  }
0x73: {  	[sflag:s7] =	ssyncadd.s32 $0xFFFFFC00  }
0x74: {  	[tilespmem:s9], [sflag:$0x1] =	stream.indirect.gather [hbm4b:s3+s8], $0x40, s2, s8, $0xb8;
	[tilespmem:$0x10400] =	vst v63  }
0x75: {  	_ = 	snop  }
0x76: {  	[tilespmem:s10], [sflag:$0x1] =	stream.indirect.gather [hbm4b:s3+s8], $0x40, s8, s8, $0xb8;
	[tilespmem:$0x10400] =	vst v63  }
0x77: {  	_ = 	snop  }
0x78: {  	[tilespmem:s12], [sflag:$0x1] =	stream.indirect.gather [hbm4b:s3+s8], $0x40, s11, s8, $0xb8;
	[tilespmem:$0x10400] =	vst v63  }
0x79: {  	_ = 	snop  }
0x7a: {  	[tilespmem:s14], [sflag:$0x1] =	stream.indirect.gather [hbm4b:s3+s8], $0x40, s13, s8, $0xb8;
	[tilespmem:$0x10400] =	vst v63  }
0x7b: {  	_ = 	snop  }
0x7c: {  	[tilespmem:s16], [sflag:$0x1] =	stream.indirect.gather [hbm4b:s3+s8], $0x40, s15, s8, $0xb8;
	[tilespmem:$0x10400] =	vst v63  }
0x7d: {  	_ = 	snop  }
0x7e: {  	[tilespmem:s18], [sflag:$0x1] =	stream.indirect.gather [hbm4b:s3+s8], $0x40, s17, s8, $0xb8;
	[tilespmem:$0x10400] =	vst v63  }
0x7f: {  	_ = 	snop  }
0x80: {  	[tilespmem:s20], [sflag:$0x1] =	stream.indirect.gather [hbm4b:s3+s8], $0x40, s19, s8, $0xb8;
	[tilespmem:$0x10400] =	vst v63  }
0x81: {  	_ = 	snop  }
0x82: {  	[tilespmem:s22], [sflag:$0x1] =	stream.indirect.gather [hbm4b:s3+s8], $0x40, s21, s8, $0xb8;
	[tilespmem:$0x10400] =	vst v63  }
0x83: {  	_ =	swait.ge [sflag:s23], $0x2000  }
0x84: {  	[sflag:s23] =	ssyncset.done $0x0  }
0x85: {  	[sflag:s23] =	ssyncadd.s32 $0xFFFFE000  }
0x86: {  	_ =	swait.ge [sflag:s23], $0x2000  }
0x87: {  	[sflag:s23] =	ssyncset.done $0x0  }
0x88: {  	[sflag:s23] =	ssyncadd.s32 $0xFFFFE000  }
0x89: {  	_ =	swait.ge [sflag:s23], $0x2000  }
0x8a: {  	[sflag:s23] =	ssyncset.done $0x0  }
0x8b: {  	[sflag:s23] =	ssyncadd.s32 $0xFFFFE000  }
0x8c: {  	_ =	swait.ge [sflag:s23], $0x2000  }
0x8d: {  	[sflag:s23] =	ssyncset.done $0x0  }
0x8e: {  	[sflag:s23] =	ssyncadd.s32 $0xFFFFE000  }
0x8f: {  	_ =	swait.ge [sflag:s23], $0x2000  }
0x90: {  	[sflag:s23] =	ssyncset.done $0x0  }
0x91: {  	[sflag:s23] =	ssyncadd.s32 $0xFFFFE000  }
0x92: {  	_ =	swait.ge [sflag:s23], $0x2000  }
0x93: {  	[sflag:s23] =	ssyncset.done $0x0  }
0x94: {  	[sflag:s23] =	ssyncadd.s32 $0xFFFFE000  }
0x95: {  	_ =	swait.ge [sflag:s23], $0x2000  }
0x96: {  	[sflag:s23] =	ssyncset.done $0x0  }
0x97: {  	[sflag:s23] =	ssyncadd.s32 $0xFFFFE000  }
0x98: {  	s24 =	sadd.s32 $0x1, s24;
	_ =	swait.ge [sflag:s23], $0x2000  }
0x99: {  	p0 =	sne.s32 s24, s4;
	[sflag:s23] =	ssyncset.done $0x0  }
.Ltmp1:
0x9a: {  	[sflag:s23] =	ssyncadd.s32 $0xFFFFE000;
	(pc) =	sbr.rel @p0 .LBB2_1-.Ltmp1, $4  }
0x9b: {  	[hbm4b:s25+s2] =	stream.linear.scatter [tilespmem:s9], [sflag:$0x2], $0x10000, $0x38;
	[tilespmem:$0x10400] =	vst v63  }
0x9c: {  	_ =	swait.ge [sflag:s7], $0x10000  }
0x9d: {  	[sflag:s7] =	ssyncset.done $0x0  }
0x9e: {  	[sflag:s7] =	ssyncadd.s32 $0xFFFF0000  }
0x9f: {  	_ =	sfence.sel $0x180000  }
0xa0: {  	[bflag:$0x0] =	sbarrier.arrive $0xFFFF  }
0xa1: {  	p0 =	sne.s32 s1, $0x0;
	_ =	strace $0x90000047  }
0xa2: {  	s0 =	sadd.s32 @!p0 $0x100000, s0;
	[bflag:$0x2] =	sbarrier.arrive $0xFFFF  }
0xa3: {  	[sflag:s0] =	ssyncadd.tile.s32 @!p0 $0x1;
	_ =	shalt  }
.Lfunc_end2:
_tile_overlayer_lowered:
.L_overlay_start_2:
0xa4: {  	(tag) =	ssettag $0x2  }
0xa5: {  	s0 =	rddreg [dreg:$0x0];
	s2 =	stileid.u32  }
0xa6: {  	s1 =	rddreg [dreg:$0x1];
	p0 =	sne.s32 s2, $0x0  }
0xa7: {  	s3 =	rddreg [dreg:$0x2];
	[bflag:$0x3] =	sbarrier.arrive $0xFFFF;
	s2 =	simm.s32 @!p0 $0x1C02  }
0xa8: {  	[timem:s3], [sflag:s2] =	dma.local @!p0 [hbm:s0], s1  }
0xa9: {  	s0 =	simm.s32 @!p0 $0x2  }
0xaa: {  	_ =	swait.ge @!p0 [sflag:s0], s1  }
0xab: {  	s1 =	ssub.s32 @!p0 $0x0, s1;
	[sflag:s0] =	ssyncset.done @!p0 $0x0  }
0xac: {  	[sflag:s0] =	ssyncadd.s32 @!p0 s1  }
0xad: {  	[bflag:$0x3] =	sbarrier.arrive $0xFFFF  }
0xae: {  	_ =	shalt  }

</sc_bundles>
